<compile_context>
chip_gen: v7x
topology: tpu7x:2x2x1
jax: 0.10.2.dev20260603
libtpu: 0.0.44.dev20260713+nightly
codegen_flags: <defaults>
</compile_context>

<pallas_src>
import functools

import jax
import jax.numpy as jnp
from jax import lax
from jax.experimental import pallas as pl
from jax.experimental.pallas import tpu as pltpu
from jax.experimental.pallas import tpu_sc as plsc

N = 10000
E = 320000
H = 128
OUT = 768
G = 64

NC = 2
NS = 16
EW = E // NS
SLICE = 640
NK = SLICE // 16

_mesh = plsc.VectorSubcoreMesh(core_axis_name="c", subcore_axis_name="s")
_sc_params = pltpu.CompilerParams(needs_layout_passes=False,
                                  use_tc_tiling_on_sc=False)


def _rsqrt16(x):
    i = plsc.bitcast(x, jnp.int32)
    i = 0x5F3759DF - lax.shift_right_logical(i, 1)
    y = plsc.bitcast(i, jnp.float32)
    for _ in range(3):
        y = y * (1.5 - 0.5 * x * y * y)
    return y


def _zero_1d(ref, n):
    def body(i, _):
        ref[pl.ds(i * 16, 16)] = jnp.zeros((16,), jnp.float32)
        return 0
    lax.fori_loop(0, n // 16, body, 0, unroll=8)


@functools.partial(
    pl.kernel,
    out_type=jax.ShapeDtypeStruct((NS, G), jnp.float32),
    mesh=_mesh,
    compiler_params=_sc_params,
    scratch_types=[
        pltpu.VMEM_SHARED((NS, N), jnp.float32),
        pltpu.VMEM_SHARED((N,), jnp.float32),
        pltpu.VMEM((EW,), jnp.int32),
        pltpu.VMEM((EW,), jnp.int32),
        pltpu.VMEM((N,), jnp.float32),
        pltpu.VMEM((N,), jnp.float32),
        pltpu.VMEM((NS, SLICE), jnp.float32),
        pltpu.VMEM((SLICE,), jnp.float32),
        pltpu.VMEM((SLICE,), jnp.float32),
        pltpu.VMEM((SLICE,), jnp.int32),
        pltpu.VMEM((G,), jnp.float32),
        pltpu.SemaphoreType.DMA,
        pltpu.SemaphoreType.DMA,
    ],
)
def _sc_scalar(src_hbm, dst_hbm, batch_hbm, out_hbm,
               parts_sh, tab_sh, srcbuf, dstbuf, tab, acc,
               pbuf, dslice, xslice, bbuf, zacc, sem0, sem1):
    cid = lax.axis_index("c")
    sid = lax.axis_index("s")
    start = jnp.minimum(sid * SLICE, N - SLICE)

    @pl.when(cid == 0)
    def _run():
        _sc_scalar_body(sid, start, src_hbm, dst_hbm, batch_hbm, out_hbm,
                        parts_sh, tab_sh, srcbuf, dstbuf, tab, acc,
                        pbuf, dslice, xslice, bbuf, zacc, sem0, sem1)


def _sc_scalar_body(sid, start, src_hbm, dst_hbm, batch_hbm, out_hbm,
                    parts_sh, tab_sh, srcbuf, dstbuf, tab, acc,
                    pbuf, dslice, xslice, bbuf, zacc, sem0, sem1):
    for j in range(G // 16):
        zacc[pl.ds(j * 16, 16)] = jnp.zeros((16,), jnp.float32)
    pltpu.sync_copy(zacc, out_hbm.at[sid])


def _tc_final_body(zp_ref, ni_ref, w0_ref, w1_ref, w2_ref, pw_ref, pb_ref,
                   out_ref):
    zcol = lax.dot_general(zp_ref[...], jnp.ones((NS, 1), jnp.float32),
                           (((0,), (0,)), ((), ())),
                           preferred_element_type=jnp.float32)
    v1 = jnp.maximum(jnp.dot(ni_ref[...], w0_ref[...],
                             preferred_element_type=jnp.float32), 0.0)
    v2 = jnp.maximum(jnp.dot(v1, w1_ref[...],
                             preferred_element_type=jnp.float32), 0.0)
    v3 = jnp.maximum(jnp.dot(v2, w2_ref[...],
                             preferred_element_type=jnp.float32), 0.0)
    vp = jnp.dot(v3, pw_ref[...], preferred_element_type=jnp.float32)
    gp = jnp.dot(zcol, vp, preferred_element_type=jnp.float32) + pb_ref[...]
    nrm = jnp.sqrt(jnp.sum(gp * gp, axis=1, keepdims=True))
    out_ref[...] = gp / jnp.maximum(nrm, 1e-12)


def _tc_final(zp, ni2d, W0, W1, W2, proj_W, pb2d):
    return pl.pallas_call(
        _tc_final_body,
        out_shape=jax.ShapeDtypeStruct((G, OUT), jnp.float32),
    )(zp, ni2d, W0, W1, W2, proj_W, pb2d)


def kernel(x, edge_index, batch, node_init, W0, b0, W1, b1, W2, b2, proj_W, proj_b):
    src = jnp.reshape(edge_index[0], (NS, EW))
    dst = jnp.reshape(edge_index[1], (NS, EW))
    zp = _sc_scalar(src, dst, batch)
    return _tc_final(zp, jnp.reshape(node_init, (1, H)), W0, W1, W2,
                     proj_W, jnp.reshape(proj_b, (1, OUT)))

# --- scband reference (transcript-rebuilt; emitter-appended) ---
"""Pipeline reference for scband-gcngraph-encoder-22067541966852 (READ-ONLY COPY).

The authoritative reference and input builder live on the scoring server;
editing this copy changes nothing except your own understanding.
"""

import jax, jax.numpy as jnp
import numpy as np

N = 10000
E = 320000
H = 128
OUT = 768
G = 64
LAYERS = 3


def setup_inputs(seed: int = 0) -> dict:
    key = jax.random.key(seed)
    ks = jax.random.split(key, 16)
    x = jax.random.normal(ks[0], (N, H), dtype=jnp.float32)
    edge_index = jax.random.randint(ks[1], (2, E), 0, N, dtype=jnp.int32)
    batch = jnp.sort(jax.random.randint(ks[2], (N,), 0, G, dtype=jnp.int32))
    node_init = jax.random.normal(ks[3], (H,), dtype=jnp.float32)
    params = {}
    for i in range(LAYERS):
        params[f'W{i}'] = jax.random.normal(ks[4 + 2 * i], (H, H), dtype=jnp.float32) * (1.0 / np.sqrt(H))
        params[f'b{i}'] = jnp.zeros((H,), dtype=jnp.float32)
    proj_W = jax.random.normal(ks[12], (H, OUT), dtype=jnp.float32) * (1.0 / np.sqrt(H))
    proj_b = jnp.zeros((OUT,), dtype=jnp.float32)
    return {
        'x': x, 'edge_index': edge_index, 'batch': batch,
        'node_init': node_init,
        'W0': params['W0'], 'b0': params['b0'],
        'W1': params['W1'], 'b1': params['b1'],
        'W2': params['W2'], 'b2': params['b2'],
        'proj_W': proj_W, 'proj_b': proj_b,
    }


def gcn_conv(h, src, dst, W, b, num_nodes):
    # linear transform
    h = h @ W
    # add self loops (PyG GCNConv default)
    loop = jnp.arange(num_nodes, dtype=src.dtype)
    src_full = jnp.concatenate([src, loop])
    dst_full = jnp.concatenate([dst, loop])
    # symmetric normalization D^{-1/2} (A+I) D^{-1/2}
    ones = jnp.ones(src_full.shape[0], dtype=h.dtype)
    deg = jax.ops.segment_sum(ones, dst_full, num_segments=num_nodes)
    deg_inv_sqrt = jnp.where(deg > 0, deg ** -0.5, 0.0)
    norm = deg_inv_sqrt[src_full] * deg_inv_sqrt[dst_full]
    msg = h[src_full] * norm[:, None]
    out = jax.ops.segment_sum(msg, dst_full, num_segments=num_nodes)
    return out + b


def reference(x, edge_index, batch, node_init, W0, b0, W1, b1, W2, b2, proj_W, proj_b):
    num_nodes = x.shape[0]
    src = edge_index[0]
    dst = edge_index[1]
    h = jnp.broadcast_to(node_init[None, :], (num_nodes, node_init.shape[0]))
    for W, b in ((W0, b0), (W1, b1), (W2, b2)):
        h = gcn_conv(h, src, dst, W, b, num_nodes)
        h = jax.nn.relu(h)
    # global add pool per graph
    g = jax.ops.segment_sum(h, batch, num_segments=G)
    g = g @ proj_W + proj_b
    g = g / jnp.maximum(jnp.linalg.norm(g, axis=-1, keepdims=True), 1e-12)
    return g

if __name__ == "__main__":
    import jax
    _d = setup_inputs()
    print(jax.jit(kernel)(*tuple(_d.values())))

</pallas_src>

<mosaic_0001>
#map = affine_map<(d0, d1) -> (0, 0)>
#map1 = affine_map<(d0, d1) -> (0)>
module attributes {stable_mosaic.version = 14 : i64} {
  func.func @_sc_scalar(%arg0: i32, %arg1: i32, %arg2: memref<16x20000xi32, #tpu.memory_space<hbm>>, %arg3: memref<16x20000xi32, #tpu.memory_space<hbm>>, %arg4: memref<10000xi32, #tpu.memory_space<hbm>>, %arg5: memref<16x64xf32, #tpu.memory_space<hbm>>, %arg6: memref<16x10000xf32, #tpu.memory_space<vmem_shared>>, %arg7: memref<10000xf32, #tpu.memory_space<vmem_shared>>, %arg8: memref<20000xi32, #tpu.memory_space<vmem>>, %arg9: memref<20000xi32, #tpu.memory_space<vmem>>, %arg10: memref<10000xf32, #tpu.memory_space<vmem>>, %arg11: memref<10000xf32, #tpu.memory_space<vmem>>, %arg12: memref<16x640xf32, #tpu.memory_space<vmem>>, %arg13: memref<640xf32, #tpu.memory_space<vmem>>, %arg14: memref<640xf32, #tpu.memory_space<vmem>>, %arg15: memref<640xi32, #tpu.memory_space<vmem>>, %arg16: memref<64xf32, #tpu.memory_space<vmem>>, %arg17: memref<!tpu.dma_semaphore, #tpu.memory_space<semaphore_mem>>, %arg18: memref<!tpu.dma_semaphore, #tpu.memory_space<semaphore_mem>>) attributes {dimension_semantics = [#tpu.dimension_semantics<core_parallel>, #tpu.dimension_semantics<subcore_parallel>], iteration_bounds = array<i64: 2, 16>, scalar_prefetch = 0 : i64, scratch_operands = 13 : i64, tpu.core_type = #tpu.core_type<sc_vector_subcore>, window_params = [{transform_indices = #map}, {transform_indices = #map}, {transform_indices = #map1}, {transform_indices = #map}]} {
    %mul3A = arith.constant 640 : i32
    %mul3A_0 = arith.muli %arg1, %mul3A : i32
    %min3A = arith.constant 9360 : i32
    %min3A_1 = arith.minsi %mul3A_0, %min3A : i32
    %eq3A = arith.constant 0 : i32
    %eq3A_2 = arith.cmpi eq, %arg0, %eq3A : i32
    %convert_element_type3A = arith.extui %eq3A_2 : i1 to i32
    %cond3A = arith.constant 0 : i32
    %cond3A_3 = arith.cmpi ne, %convert_element_type3A, %cond3A : i32
    scf.if %cond3A_3 {
      %broadcast_in_dim3A = arith.constant 0.000000e+00 : f32
      %broadcast_in_dim3A_4 = vector.broadcast %broadcast_in_dim3A : f32 to vector<16xf32>
      %swap3A = arith.constant 0 : index
      %swap3A_5 = tpu.vector_load %arg16[%swap3A] {strides = array<i32>} : memref<64xf32, #tpu.memory_space<vmem>>, vector<16xf32>,
      tpu.vector_store %arg16[%swap3A], %broadcast_in_dim3A_4 {strides = array<i32>} : memref<64xf32, #tpu.memory_space<vmem>>, vector<16xf32>,
      %broadcast_in_dim3A_6 = arith.constant 0.000000e+00 : f32
      %broadcast_in_dim3A_7 = vector.broadcast %broadcast_in_dim3A_6 : f32 to vector<16xf32>
      %swap3A_8 = arith.constant 16 : index
      %swap3A_9 = tpu.vector_load %arg16[%swap3A_8] {strides = array<i32>} : memref<64xf32, #tpu.memory_space<vmem>>, vector<16xf32>,
      tpu.vector_store %arg16[%swap3A_8], %broadcast_in_dim3A_7 {strides = array<i32>} : memref<64xf32, #tpu.memory_space<vmem>>, vector<16xf32>,
      %broadcast_in_dim3A_10 = arith.constant 0.000000e+00 : f32
      %broadcast_in_dim3A_11 = vector.broadcast %broadcast_in_dim3A_10 : f32 to vector<16xf32>
      %swap3A_12 = arith.constant 32 : index
      %swap3A_13 = tpu.vector_load %arg16[%swap3A_12] {strides = array<i32>} : memref<64xf32, #tpu.memory_space<vmem>>, vector<16xf32>,
      tpu.vector_store %arg16[%swap3A_12], %broadcast_in_dim3A_11 {strides = array<i32>} : memref<64xf32, #tpu.memory_space<vmem>>, vector<16xf32>,
      %broadcast_in_dim3A_14 = arith.constant 0.000000e+00 : f32
      %broadcast_in_dim3A_15 = vector.broadcast %broadcast_in_dim3A_14 : f32 to vector<16xf32>
      %swap3A_16 = arith.constant 48 : index
      %swap3A_17 = tpu.vector_load %arg16[%swap3A_16] {strides = array<i32>} : memref<64xf32, #tpu.memory_space<vmem>>, vector<16xf32>,
      tpu.vector_store %arg16[%swap3A_16], %broadcast_in_dim3A_15 {strides = array<i32>} : memref<64xf32, #tpu.memory_space<vmem>>, vector<16xf32>,
      "tpu.region"() ({
        %run_scoped3A = tpu.sem_alloc : memref<!tpu.dma_semaphore, #tpu.memory_space<semaphore_mem>>
        %dma_start3A = arith.constant 0 : i32
        %dma_start3A_18 = tpu.memref_slice %arg5[%arg1, %dma_start3A] : memref<16x64xf32, #tpu.memory_space<hbm>> -> memref<1x64xf32, #tpu.memory_space<hbm>>
        %dma_start3A_19 = tpu.memref_squeeze %dma_start3A_18 : memref<1x64xf32, #tpu.memory_space<hbm>> -> memref<64xf32, #tpu.memory_space<hbm>>
        %dma_start3A_20 = arith.constant 0 : i32
        %dma_start3A_21 = tpu.memref_slice %arg5[%arg1, %dma_start3A_20] : memref<16x64xf32, #tpu.memory_space<hbm>> -> memref<1x64xf32, #tpu.memory_space<hbm>>
        %dma_start3A_22 = tpu.memref_squeeze %dma_start3A_21 : memref<1x64xf32, #tpu.memory_space<hbm>> -> memref<64xf32, #tpu.memory_space<hbm>>
        tpu.enqueue_dma source(%arg16 : memref<64xf32, #tpu.memory_space<vmem>>) target(%dma_start3A_22 : memref<64xf32, #tpu.memory_space<hbm>>) target_semaphore(%run_scoped3A : memref<!tpu.dma_semaphore, #tpu.memory_space<semaphore_mem>>)
        %dma_wait3A = arith.constant 0 : i32
        %dma_wait3A_23 = tpu.memref_slice %arg5[%arg1, %dma_wait3A] : memref<16x64xf32, #tpu.memory_space<hbm>> -> memref<1x64xf32, #tpu.memory_space<hbm>>
        %dma_wait3A_24 = tpu.memref_squeeze %dma_wait3A_23 : memref<1x64xf32, #tpu.memory_space<hbm>> -> memref<64xf32, #tpu.memory_space<hbm>>
        %dma_wait3A_25 = arith.constant 0 : i32
        %dma_wait3A_26 = tpu.memref_slice %arg5[%arg1, %dma_wait3A_25] : memref<16x64xf32, #tpu.memory_space<hbm>> -> memref<1x64xf32, #tpu.memory_space<hbm>>
        %dma_wait3A_27 = tpu.memref_squeeze %dma_wait3A_26 : memref<1x64xf32, #tpu.memory_space<hbm>> -> memref<64xf32, #tpu.memory_space<hbm>>
        tpu.wait_dma2 semaphore(%run_scoped3A : memref<!tpu.dma_semaphore, #tpu.memory_space<semaphore_mem>>) src(%arg16 : memref<64xf32, #tpu.memory_space<vmem>>) dst(%dma_wait3A_27 : memref<64xf32, #tpu.memory_space<hbm>>)
        tpu.yield
      }) : () -> ()
    } else {
    }
    return
  }
}

module attributes {stable_mosaic.version = 14 : i64} {
  func.func @_tc_final_body(%arg0: memref<16x64xf32, #tpu.memory_space<vmem>>, %arg1: memref<1x128xf32, #tpu.memory_space<vmem>>, %arg2: memref<128x128xf32, #tpu.memory_space<vmem>>, %arg3: memref<128x128xf32, #tpu.memory_space<vmem>>, %arg4: memref<128x128xf32, #tpu.memory_space<vmem>>, %arg5: memref<128x768xf32, #tpu.memory_space<vmem>>, %arg6: memref<1x768xf32, #tpu.memory_space<vmem>>, %arg7: memref<64x768xf32, #tpu.memory_space<vmem>>) attributes {dimension_semantics = [], scalar_prefetch = 0 : i64, scratch_operands = 0 : i64, tpu.core_type = #tpu.core_type<tc>} {
    %get3A = arith.constant 0 : index
    %get3A_0 = arith.constant 0 : index
    %get3A_1 = vector.load %arg0[%get3A, %get3A_0] : memref<16x64xf32, #tpu.memory_space<vmem>>, vector<16x64xf32>
    %broadcast_in_dim3A = arith.constant 1.000000e+00 : f32
    %broadcast_in_dim3A_2 = vector.broadcast %broadcast_in_dim3A : f32 to vector<16x1xf32>
    %dot_general3A = arith.constant dense<0.000000e+00> : vector<64x1xf32>
    %dot_general3A_3 = tpu.matmul %get3A_1, %broadcast_in_dim3A_2, %dot_general3A {dimension_numbers = #tpu.dot_dimension_numbers<[0], [0], [1], [1], [0, 1, 1, 1], [], []>, transpose_lhs_hint = false} : vector<16x64xf32>, vector<16x1xf32>, vector<64x1xf32> -> vector<64x1xf32>
    %get3A_4 = arith.constant 0 : index
    %get3A_5 = arith.constant 0 : index
    %get3A_6 = vector.load %arg1[%get3A_4, %get3A_5] : memref<1x128xf32, #tpu.memory_space<vmem>>, vector<1x128xf32>
    %get3A_7 = arith.constant 0 : index
    %get3A_8 = arith.constant 0 : index
    %get3A_9 = vector.load %arg2[%get3A_7, %get3A_8] : memref<128x128xf32, #tpu.memory_space<vmem>>, vector<128x128xf32>
    %dot_general3A_10 = arith.constant dense<0.000000e+00> : vector<1x128xf32>
    %dot_general3A_11 = tpu.matmul %get3A_6, %get3A_9, %dot_general3A_10 {dimension_numbers = #tpu.dot_dimension_numbers<[1], [0], [0], [1], [0, 0, 1, 1], [], []>, transpose_lhs_hint = false} : vector<1x128xf32>, vector<128x128xf32>, vector<1x128xf32> -> vector<1x128xf32>
    %max3A = arith.constant 0.000000e+00 : f32
    %max3A_12 = vector.broadcast %max3A : f32 to vector<1x128xf32>
    %max3A_13 = arith.maximumf %dot_general3A_11, %max3A_12 : vector<1x128xf32>
    %get3A_14 = arith.constant 0 : index
    %get3A_15 = arith.constant 0 : index
    %get3A_16 = vector.load %arg3[%get3A_14, %get3A_15] : memref<128x128xf32, #tpu.memory_space<vmem>>, vector<128x128xf32>
    %dot_general3A_17 = arith.constant dense<0.000000e+00> : vector<1x128xf32>
    %dot_general3A_18 = tpu.matmul %max3A_13, %get3A_16, %dot_general3A_17 {dimension_numbers = #tpu.dot_dimension_numbers<[1], [0], [0], [1], [0, 0, 1, 1], [], []>, transpose_lhs_hint = false} : vector<1x128xf32>, vector<128x128xf32>, vector<1x128xf32> -> vector<1x128xf32>
    %max3A_19 = arith.constant 0.000000e+00 : f32
    %max3A_20 = vector.broadcast %max3A_19 : f32 to vector<1x128xf32>
    %max3A_21 = arith.maximumf %dot_general3A_18, %max3A_20 : vector<1x128xf32>
    %get3A_22 = arith.constant 0 : index
    %get3A_23 = arith.constant 0 : index
    %get3A_24 = vector.load %arg4[%get3A_22, %get3A_23] : memref<128x128xf32, #tpu.memory_space<vmem>>, vector<128x128xf32>
    %dot_general3A_25 = arith.constant dense<0.000000e+00> : vector<1x128xf32>
    %dot_general3A_26 = tpu.matmul %max3A_21, %get3A_24, %dot_general3A_25 {dimension_numbers = #tpu.dot_dimension_numbers<[1], [0], [0], [1], [0, 0, 1, 1], [], []>, transpose_lhs_hint = false} : vector<1x128xf32>, vector<128x128xf32>, vector<1x128xf32> -> vector<1x128xf32>
    %max3A_27 = arith.constant 0.000000e+00 : f32
    %max3A_28 = vector.broadcast %max3A_27 : f32 to vector<1x128xf32>
    %max3A_29 = arith.maximumf %dot_general3A_26, %max3A_28 : vector<1x128xf32>
    %get3A_30 = arith.constant 0 : index
    %get3A_31 = arith.constant 0 : index
    %get3A_32 = vector.load %arg5[%get3A_30, %get3A_31] : memref<128x768xf32, #tpu.memory_space<vmem>>, vector<128x768xf32>
    %dot_general3A_33 = arith.constant dense<0.000000e+00> : vector<1x768xf32>
    %dot_general3A_34 = tpu.matmul %max3A_29, %get3A_32, %dot_general3A_33 {dimension_numbers = #tpu.dot_dimension_numbers<[1], [0], [0], [1], [0, 0, 1, 1], [], []>, transpose_lhs_hint = false} : vector<1x128xf32>, vector<128x768xf32>, vector<1x768xf32> -> vector<1x768xf32>
    %dot_general3A_35 = arith.constant dense<0.000000e+00> : vector<64x768xf32>
    %dot_general3A_36 = tpu.matmul %dot_general3A_3, %dot_general3A_34, %dot_general3A_35 {dimension_numbers = #tpu.dot_dimension_numbers<[1], [0], [0], [1], [0, 0, 1, 1], [], []>, transpose_lhs_hint = false} : vector<64x1xf32>, vector<1x768xf32>, vector<64x768xf32> -> vector<64x768xf32>
    %get3A_37 = arith.constant 0 : index
    %get3A_38 = arith.constant 0 : index
    %get3A_39 = vector.load %arg6[%get3A_37, %get3A_38] : memref<1x768xf32, #tpu.memory_space<vmem>>, vector<1x768xf32>
    %add3A = vector.broadcast %get3A_39 : vector<1x768xf32> to vector<64x768xf32>
    %add3A_40 = arith.addf %dot_general3A_36, %add3A : vector<64x768xf32>
    %mul3A = arith.mulf %add3A_40, %add3A_40 : vector<64x768xf32>
    %reduce_sum3A = arith.constant dense<0.000000e+00> : vector<64xf32>
    %reduce_sum3A_41 = vector.multi_reduction <add>, %mul3A, %reduce_sum3A [1] : vector<64x768xf32> to vector<64xf32>
    %broadcast_in_dim3A_42 = vector.shape_cast %reduce_sum3A_41 : vector<64xf32> to vector<64x1xf32>
    %sqrt3A = math.sqrt %broadcast_in_dim3A_42 : vector<64x1xf32>
    %max3A_43 = arith.constant 9.99999996E-13 : f32
    %max3A_44 = vector.broadcast %max3A_43 : f32 to vector<64x1xf32>
    %max3A_45 = arith.maximumf %sqrt3A, %max3A_44 : vector<64x1xf32>
    %div3A = vector.broadcast %max3A_45 : vector<64x1xf32> to vector<64x768xf32>
    %div3A_46 = arith.divf %add3A_40, %div3A : vector<64x768xf32>
    %swap3A = arith.constant 0 : index
    %swap3A_47 = arith.constant 0 : index
    %swap3A_48 = vector.load %arg7[%swap3A, %swap3A_47] : memref<64x768xf32, #tpu.memory_space<vmem>>, vector<64x768xf32>
    tpu.vector_store %arg7[%swap3A, %swap3A_47], %div3A_46 {strides = array<i32>} : memref<64x768xf32, #tpu.memory_space<vmem>>, vector<64x768xf32>,
    return
  }
}

</mosaic_0001>

<sc_bundles>
// kernel: kernel.4.cloned.1.call-start
scs
__scs_entry_jumppad:
0x0: {  	(pc) =	sbr.rel $0x88, $3  }
0x1: {  	(tag) =	ssettag $0x0;
	lr =	simm.s32 $0x1  }
0x2: {  	[smem:$0x3F99] =	sst lr;
	_ =	strace $0xD0000000  }
0x3: {  	_ = 	snop  }
0x4: {  	_ = 	snop  }
0x5: {  	_ = 	snop  }
0x6: {  	_ = 	snop  }
0x7: {  	_ = 	snop  }
__scs_overlays_trampoline_lowered:
0x8: {  	[smem:$0x3FA8] =	sst s0  }
0x9: {  	[smem:$0x3FA9] =	sst s1  }
0xa: {  	[smem:$0x3FAA] =	sst s2  }
0xb: {  	[smem:$0x3FAB] =	sst s3  }
0xc: {  	[smem:$0x3FAC] =	sst s4  }
0xd: {  	[smem:$0x3FAD] =	sst s5  }
0xe: {  	[smem:$0x3FAE] =	sst s6  }
0xf: {  	[smem:$0x3FAF] =	sst s7  }
0x10: {  	[smem:$0x3FB0] =	sst s8  }
0x11: {  	[smem:$0x3FB1] =	sst s9;
	s0 =	simm.s32 @!p0 $0x0  }
0x12: {  	s1 =	sld [smem:$0x3F97];
	s0 =	simm.s32 @p0 $0x1  }
0x13: {  	[smem:$0x3FB2] =	sst s0;
	s0 =	simm.s32 @!p1 $0x0  }
0x14: {  	s2 =	sld [smem:$0x3F96];
	s0 =	simm.s32 @p1 $0x1  }
0x15: {  	[smem:$0x3FB3] =	sst s0;
	s0 =	simm.s32 @!p2 $0x0  }
0x16: {  	s3 =	sld [smem:$0x3FDB];
	s0 =	simm.s32 @p2 $0x1  }
0x17: {  	s4 =	simm.s32 $0x1BF5;
	[smem:$0x3FB5] =	sst s0  }
0x18: {  	s0 =	sld [smem:$0x3F98];
	_ =	swait.ge [sflag:s4], $0x0  }
0x19: {  	s7 =	sld [smem:$0x3F99]  }
0x1a: {  	s8 =	sadd.s32 $0xFFFFE003, lr  }
0x1b: {  	s9 =	sadd.s32 $0xFFFFFEF7, lr;
	s5 =	simm.s32 $0xFFFFFFFF;
	p2 =	slt.u32 s8, $0xFFFFF086  }
0x1c: {  	p1 =	slt.u32 s9, $0xF7A;
	s5 =	simm.s32 @!p2 $0x0  }
0x1d: {  	s5 =	simm.s32 @p1 $0x1;
	p0 =	seq.s32 s7, s2  }
0x1e: {  	s7 =	smul.u32 @!p0 $0xF7A, s2;
	p2 =	seq.s32 @!p0 s5, $0x0  }
0x1f: {  	s9 =	smul.u32 $0xF7A, s1;
	s8 =	simm.s32 @!p0 $0x1BF5;
	p2 =	por !p2, p0  }
0x20: {  	[sflag:s8] =	ssyncset.s32 @!p0 $0xFFFFF086;
	s6 =	sadd.s32 @!p0 s3, s7;
	s7 =	simm.s32 @!p0 $0x108  }
0x21: {  	s3 =	sadd.s32 s3, s9;
	s6 =	sadd.s32 @!p0 $0x88, s6;
	s7 =	simm.s32 @p2 $0x1082  }
0x22: {  	[simem:s7], [sflag:s8] =	dma.local @!p0 [hbm:s6], $0xF7A  }
0x23: {  	s9 =	sor.u32 $0xD0000000, s2;
	s6 =	simm.s32 $0x108;
	_ =	swait.ge @!p0 [sflag:s8], $0x0  }
0x24: {  	s3 =	sadd.s32 $0x88, s3;
	s6 =	simm.s32 @!p1 $0x1082;
	[sflag:s4] =	ssyncset.s32 $0xFFFFF086  }
0x25: {  	[simem:s6], [sflag:s4] =	dma.local [hbm:s3], $0xF7A  }
0x26: {  	[smem:$0x3F99] =	sst s1;
	(tag) =	ssettag s2;
	_ =	strace s9  }
0x27: {  	s1 =	sld [smem:$0x3FA9]  }
0x28: {  	s2 =	sld [smem:$0x3FAA]  }
0x29: {  	s4 =	sld [smem:$0x3FAC]  }
0x2a: {  	p0 =	seq.s32 s5, $0x0;
	s5 =	sld [smem:$0x3FAD]  }
0x2b: {  	s6 =	sld [smem:$0x3FAE]  }
0x2c: {  	s7 =	sld [smem:$0x3FAF]  }
0x2d: {  	s3 =	simm.s32 $0x108;
	s8 =	sld [smem:$0x3FB0]  }
0x2e: {  	s3 =	simm.s32 @!p0 $0x1082;
	s9 =	sld [smem:$0x3FB1]  }
0x2f: {  	lr =	sadd.s32 s0, s3;
	s0 =	sld [smem:$0x3FA8]  }
0x30: {  	s3 =	sld [smem:$0x3FAB]  }
0x31: {  	[smem:$0x3FB4] =	sst s10  }
0x32: {  	s10 =	sld [smem:$0x3FB2];
	_ =	sdelay $0x3  }
0x33: {  	p0 =	seq.s32 s10, $0x1;
	s10 =	sld [smem:$0x3FB4];
	_ =	sdelay $0x3  }
0x34: {  	[smem:$0x3FB4] =	sst s10  }
0x35: {  	s10 =	sld [smem:$0x3FB3];
	_ =	sdelay $0x3  }
0x36: {  	p1 =	seq.s32 s10, $0x1;
	s10 =	sld [smem:$0x3FB4];
	_ =	sdelay $0x3  }
0x37: {  	[smem:$0x3FB4] =	sst s10  }
0x38: {  	s10 =	sld [smem:$0x3FB5]  }
0x39: {  	_ = 	snop;
	(pc) =	sbr.ind lr, $3  }
0x3a: {  	_ = 	snop  }
0x3b: {  	_ = 	snop  }
0x3c: {  	p2 =	seq.s32 s10, $0x1;
	s10 =	sld [smem:$0x3FB4]  }
0x3d: {  	_ =	shalt  }
0x3e: {  	_ =	shalt  }
0x3f: {  	_ =	shalt  }
0x40: {  	_ =	shalt  }
0x41: {  	_ =	shalt  }
0x42: {  	_ =	shalt  }
0x43: {  	_ =	shalt  }
0x44: {  	_ =	shalt  }
0x45: {  	_ =	shalt  }
0x46: {  	_ =	shalt  }
0x47: {  	_ =	shalt  }
0x48: {  	_ =	shalt  }
0x49: {  	_ =	shalt  }
0x4a: {  	_ =	shalt  }
0x4b: {  	_ =	shalt  }
0x4c: {  	_ =	shalt  }
0x4d: {  	_ =	shalt  }
0x4e: {  	_ =	shalt  }
0x4f: {  	_ =	shalt  }
0x50: {  	_ =	shalt  }
0x51: {  	_ =	shalt  }
0x52: {  	_ =	shalt  }
0x53: {  	_ =	shalt  }
0x54: {  	_ =	shalt  }
0x55: {  	_ =	shalt  }
0x56: {  	_ =	shalt  }
0x57: {  	_ =	shalt  }
0x58: {  	_ =	shalt  }
0x59: {  	_ =	shalt  }
0x5a: {  	_ =	shalt  }
0x5b: {  	_ =	shalt  }
0x5c: {  	_ =	shalt  }
0x5d: {  	_ =	shalt  }
0x5e: {  	_ =	shalt  }
0x5f: {  	_ =	shalt  }
0x60: {  	_ =	shalt  }
0x61: {  	_ =	shalt  }
0x62: {  	_ =	shalt  }
0x63: {  	_ =	shalt  }
0x64: {  	_ =	shalt  }
0x65: {  	_ =	shalt  }
0x66: {  	_ =	shalt  }
0x67: {  	_ =	shalt  }
0x68: {  	_ =	shalt  }
0x69: {  	_ =	shalt  }
0x6a: {  	_ =	shalt  }
0x6b: {  	_ =	shalt  }
0x6c: {  	_ =	shalt  }
0x6d: {  	_ =	shalt  }
0x6e: {  	_ =	shalt  }
0x6f: {  	_ =	shalt  }
0x70: {  	_ =	shalt  }
0x71: {  	_ =	shalt  }
0x72: {  	_ =	shalt  }
0x73: {  	_ =	shalt  }
0x74: {  	_ =	shalt  }
0x75: {  	_ =	shalt  }
0x76: {  	_ =	shalt  }
0x77: {  	_ =	shalt  }
0x78: {  	_ =	shalt  }
0x79: {  	_ =	shalt  }
0x7a: {  	_ =	shalt  }
0x7b: {  	_ =	shalt  }
0x7c: {  	_ =	shalt  }
0x7d: {  	_ =	shalt  }
0x7e: {  	_ =	shalt  }
0x7f: {  	_ =	shalt  }
0x80: {  	_ =	shalt  }
0x81: {  	_ =	shalt  }
0x82: {  	_ =	shalt  }
0x83: {  	_ =	shalt  }
0x84: {  	_ =	shalt  }
0x85: {  	_ =	shalt  }
0x86: {  	_ =	shalt  }
0x87: {  	_ =	shalt  }
.Lfunc_end0:
.L_simem_size_0:
called_computation_lowered:
.L_overlay_start_0:
0x88: {  	s2 =	sld [smem:$0x3FD9]  }
0x89: {  	s3 =	sld [smem:$0x3FFE];
	_ =	sdelay $0x1  }
0x8a: {  	s1 =	srdreg.scid  }
0x8b: {  	s0 =	sand.u32 $0x1, s1  }
0x8c: {  	s18 =	sshll.u32 s0, $0xA;
	s2 =	sadd.s32 s3, s2  }
0x8d: {  	s2 =	sadd.s32 s2, s18  }
0x8e: {  	[smem:$0x3FC0] =	sst s2  }
0x8f: {  	_ = 	snop  }
0x90: {  	s2 =	sld [smem:$0x3FD0];
	(tm) =	ssettm $0x1  }
0x91: {  	s19 =	sld [smem:$0x3FFB];
	_ =	sdelay $0x3  }
0x92: {  	_ =	strace s19  }
0x93: {  	s3 =	sld [smem:$0x3FFC];
	_ =	sdelay $0x3  }
0x94: {  	_ =	strace s3  }
0x95: {  	s3 =	sld [smem:$0x3FFD];
	_ =	sdelay $0x3  }
0x96: {  	_ =	strace s3  }
0x97: {  	_ =	strace $0x8FFFFFFF  }
0x98: {  	s20 =	sld [smem:$0x3FDB];
	_ =	sdelay $0x1  }
0x99: {  	s4 =	simm.s32 $_scs_section_size  }
0x9a: {  	s5 =	simm.s32 $_size__tile_overlayer_lowered;
	s6 =	simm.s32 $_tile_overlayer_lowered  }
0x9b: {  	s23 =	simm.s32 $0x1BFF;
	s22 =	sshll.u32 s6, $0x1;
	s3 =	sadd.s32 s4, s20  }
0x9c: {  	s7 =	simm.s32 $0x0;
	s21 =	sshll.u32 s5, $0x1;
	s5 =	sadd.s32 s22, s3  }
0x9d: {  	[timem:s7], [sflag:s23] =	dma.local [hbm:s5], s21  }
0x9e: {  	_ =	swait.ge [sflag:s23], s21  }
0x9f: {  	s4 =	ssub.s32 $0x0, s21;
	[sflag:s23] =	ssyncset.done $0x0  }
0xa0: {  	[sflag:s23] =	ssyncadd.s32 s4;
	_ =	sdelay $0x1  }
0xa1: {  	s24 =	simm.s32 $0x1B8B  }
0xa2: {  	_ =	swait.ge [sflag:s24], $0x1  }
0xa3: {  	[sflag:s24] =	ssyncset.done $0x0  }
0xa4: {  	s25 =	simm.s32 $0x1B8E;
	[sflag:s24] =	ssyncadd.s32 $0xFFFFFFFF  }
0xa5: {  	s26 =	simm.s32 $execute0_lowered;
	[smem:$0x3FD2] =	sst s25  }
0xa6: {  	s4 =	sshll.u32 s26, $0x1;
	_ =	strace $0x80000046;
	[dreg:$0x1] =	wrdreg $0xFFFFFFFF  }
0xa7: {  	s28 =	simm.s32 $_size_execute0_lowered;
	s3 =	sadd.s32 s3, s4;
	[dreg:$0x0] =	wrdreg $0x0  }
0xa8: {  	s4 =	sshll.u32 s28, $0x1;
	[dreg:$0x2] =	wrdreg s3  }
0xa9: {  	[dreg:$0x3] =	wrdreg s4  }
0xaa: {  	[dreg:$0x4] =	wrdreg $0xC0  }
0xab: {  	_ =	task [dreg:s7], $0x5FFFF  }
0xac: {  	[dreg:$0x1] =	wrdreg $0xFFFFFFFF  }
0xad: {  	[dreg:$0x0] =	wrdreg $0x60  }
0xae: {  	[dreg:$0x2] =	wrdreg s2  }
0xaf: {  	[dreg:$0x3] =	wrdreg $0x9  }
0xb0: {  	_ =	task.clear_ibuf [dreg:s7], $0x4FFFF;
	_ =	strace $0x90000046  }
0xb1: {  	s29 =	simm.s32 $0x9;
	_ =	strace $0x80000048  }
0xb2: {  	_ =	swait.ge [sflag:s29], $0x1  }
0xb3: {  	[sflag:s29] =	ssyncadd.s32 $0xFFFFFFFF  }
0xb4: {  	_ =	strace $0x90000048  }
0xb5: {  	_ =	sfence  }
0xb6: {  	s30 =	sld [smem:$0x0];
	_ =	sdelay $0x2  }
0xb7: {  	s31 =	sshll.u32 s1, $0xD;
	s1 =	sshrl.u32 s1, $0x2  }
0xb8: {  	s3 =	sand.u32 $0x4000, s31;
	s1 =	sadd.s32 s1, s30  }
0xb9: {  	s0 =	sor.u32 s3, s0;
	s1 =	sshll.u32 s1, $0x11  }
0xba: {  	s0 =	sor.u32 s1, s0  }
0xbb: {  	s0 =	sadd.s32 $0x8F2B, s0  }
0xbc: {  	[sflag:s0] =	ssyncadd.remote.s32 $0x1  }
0xbd: {  	_ =	sfence.sel $0xFFFF  }
0xbe: {  	[dreg:$0x0] =	wrdreg $0xFFFFFFFF;
	(pc) =	sbr.abs _section_cstart, $3  }
0xbf: {  	[dreg:$0x1] =	wrdreg $0xFFFFFFFF  }
0xc0: {  	_ =	task.clear_ibuf [dreg:s7], $0x2FFFF;
	_ =	strace $0x9FFFFFFF  }
0xc1: {  	(tm) =	ssettm $0x7FFFFFFF  }
tec
execute0_lowered:
.L_overlay_start_1:
0x0: {  	(tag) =	ssettag $0x1  }
0x1: {  	s1 =	srdreg.scid  }
0x2: {  	s1 =	sand.u32 $0x1, s1  }
0x3: {  	s0 =	rddreg [dreg:$0x0];
	s3 =	simm.s32 $0x0;
	p0 =	seq.s32 s1, $0x1  }
0x4: {  	[smem:$0x7FF] =	sst s3;
	v0 =	vimm.f32 @!p0 $0.0e+00  }
0x5: {  	s2 =	rddreg [dreg:$0x1];
	_ =	strace $0x80000047;
	[tilespmem:$0x0] =	vst @!p0 v0  }
0x6: {  	s1 =	stileid.u32;
	[tilespmem:$0x10] =	vst @!p0 v0  }
0x7: {  	s3 =	sshll.u32 @!p0 s1, $0x3;
	[tilespmem:$0x20] =	vst @!p0 v0  }
0x8: {  	s0 =	sadd.s32 @!p0 s0, s3;
	[tilespmem:$0x30] =	vst @!p0 v0;
	s3 =	simm.s32 @!p0 $0x0  }
0x9: {  	[hbm4b:s0+s3] =	stream.linear.scatter @!p0 [tilespmem:s3], [sflag:$0x1], $0x40, $0x38;
	[tilespmem:$0x40] =	vst v63  }
0xa: {  	s0 =	simm.s32 @!p0 $0x1  }
0xb: {  	_ =	swait.ge @!p0 [sflag:s0], $0x40  }
0xc: {  	[sflag:s0] =	ssyncset.done @!p0 $0x0  }
0xd: {  	[sflag:s0] =	ssyncadd.s32 @!p0 $0xFFFFFFC0  }
0xe: {  	_ =	sfence.sel $0x180000  }
0xf: {  	[bflag:$0x0] =	sbarrier.arrive $0xFFFF  }
0x10: {  	p0 =	sne.s32 s1, $0x0;
	_ =	strace $0x90000047  }
0x11: {  	s0 =	sadd.s32 @!p0 $0x100000, s2;
	[bflag:$0x2] =	sbarrier.arrive $0xFFFF  }
0x12: {  	[sflag:s0] =	ssyncadd.tile.s32 @!p0 $0x1;
	_ =	shalt  }
.Lfunc_end2:
_tile_overlayer_lowered:
.L_overlay_start_2:
0x13: {  	(tag) =	ssettag $0x2  }
0x14: {  	s0 =	rddreg [dreg:$0x0];
	s2 =	stileid.u32  }
0x15: {  	s1 =	rddreg [dreg:$0x1];
	p0 =	sne.s32 s2, $0x0  }
0x16: {  	s3 =	rddreg [dreg:$0x2];
	[bflag:$0x3] =	sbarrier.arrive $0xFFFF;
	s2 =	simm.s32 @!p0 $0x1C01  }
0x17: {  	[timem:s3], [sflag:s2] =	dma.local @!p0 [hbm:s0], s1  }
0x18: {  	s0 =	simm.s32 @!p0 $0x1  }
0x19: {  	_ =	swait.ge @!p0 [sflag:s0], s1  }
0x1a: {  	s1 =	ssub.s32 @!p0 $0x0, s1;
	[sflag:s0] =	ssyncset.done @!p0 $0x0  }
0x1b: {  	[sflag:s0] =	ssyncadd.s32 @!p0 s1  }
0x1c: {  	[bflag:$0x3] =	sbarrier.arrive $0xFFFF  }
0x1d: {  	_ =	shalt  }

</sc_bundles>
